<compile_context>
chip_gen: v7x
topology: tpu7x:2x2x1
jax: 0.10.2.dev20260603
libtpu: 0.0.44.dev20260713+nightly
codegen_flags: <defaults>
</compile_context>

<pallas_src>
import jax
import jax.numpy as jnp
from jax import lax
from jax.experimental import pallas as pl
from jax.experimental.pallas import tpu as pltpu
from jax.experimental.pallas import tpu_sc as plsc

MEMORY_UNIT = 256
MAX_MEMORY = 100000
OUT_DIM = 512
UPDATE_SIZE = 3 + MEMORY_UNIT
Y_DIM = OUT_DIM - UPDATE_SIZE
JUMP_THRESHOLD = 0.5
MIN_SIM_TO_JUMP = 0.5

ROWS_PER_BLOCK = 10000
NUM_BLOCKS = MAX_MEMORY // ROWS_PER_BLOCK

SC_CHUNK = 800
SC_NUM_CHUNKS = MAX_MEMORY // SC_CHUNK
NW = 32


def _controller_kernel(xj_ref, w_mat_ref, b_ref, out_ref):
    out_ref[...] = (
        jax.lax.dot_general(
            xj_ref[...], w_mat_ref[...], (((1,), (1,)), ((), ())),
            preferred_element_type=jnp.float32,
            precision=jax.lax.Precision.HIGHEST,
        )
        + b_ref[...]
    )


def _sc_copy(mem_hbm, m_hbm, sjw_hbm, mem2_hbm, sjw_v):
    wid = lax.axis_index("s") * 2 + lax.axis_index("c")
    pltpu.sync_copy(sjw_hbm, sjw_v)
    w = sjw_v[...][15]
    nk = jnp.where(wid < SC_NUM_CHUNKS % NW, SC_NUM_CHUNKS // NW + 1,
                   SC_NUM_CHUNKS // NW)

    def chunk_body(k, carry):
        base = (wid + NW * k) * SC_CHUNK
        pltpu.sync_copy(mem_hbm.at[pl.ds(base, SC_CHUNK)],
                        mem2_hbm.at[pl.ds(base, SC_CHUNK)])
        return carry

    lax.fori_loop(0, nk, chunk_body, 0)

    @pl.when((wid == 0) & (w > 0.5))
    def _():
        pltpu.sync_copy(m_hbm, mem2_hbm.at[pl.ds(0, 1)])


def _scan_kernel(ctrl_ref, mem_ref, mem_any_ref,
                 read_ref, land_ref, best_ref, pos_ref, sem):
    i = pl.program_id(0)

    @pl.when(i == 0)
    def _():
        best_ref[0] = -jnp.inf
        pos_ref[0] = 0

    w = ctrl_ref[0, Y_DIM + 2]
    m_row = ctrl_ref[0:1, Y_DIM + 3:]

    blk = mem_ref[...]
    d = blk - m_row
    d2 = jnp.sum(d * d, axis=1, keepdims=True)
    sims = 1.0 - jnp.sqrt(d2) * (1.0 / MEMORY_UNIT)
    local_best = jnp.max(sims)
    rows = jax.lax.broadcasted_iota(jnp.int32, (ROWS_PER_BLOCK, 1), 0)
    local_pos = jnp.min(
        jnp.where(sims == local_best, rows, ROWS_PER_BLOCK)
    ) + i * ROWS_PER_BLOCK

    better = local_best > best_ref[0]
    best_ref[0] = jnp.where(better, local_best, best_ref[0])
    pos_ref[0] = jnp.where(better, local_pos, pos_ref[0])

    @pl.when(i == NUM_BLOCKS - 1)
    def _():
        s = ctrl_ref[0, Y_DIM]
        j = ctrl_ref[0, Y_DIM + 1]
        jumped = jnp.where(
            w > 0.5, 0,
            jnp.where(best_ref[0] > MIN_SIM_TO_JUMP, pos_ref[0], 0),
        )
        head0 = jnp.where(j > JUMP_THRESHOLD, jumped, 0)
        shift = jnp.floor(s * 3.0 - 1e-9).astype(jnp.int32) - 1
        head = jnp.mod(head0 + shift, MAX_MEMORY)
        copy = pltpu.make_async_copy(
            mem_any_ref.at[pl.ds(head, 1)], land_ref, sem)
        copy.start()
        copy.wait()
        read_ref[...] = jnp.where(
            (head == 0) & (w > 0.5), m_row, land_ref[...])


def kernel(x, W, b, memory, previous_read, interpret=False):
    xj = jnp.concatenate([x, previous_read[None, :]], axis=1)

    out = pl.pallas_call(
        _controller_kernel,
        out_shape=jax.ShapeDtypeStruct((1, OUT_DIM), jnp.float32),
        interpret=interpret,
    )(xj, W, b[None, :])

    y = out[0, :Y_DIM]
    m_2d = out[0:1, Y_DIM + 3:]
    sjw = out[0, Y_DIM - 13:Y_DIM + 3]

    sc_fn = pl.kernel(
        _sc_copy,
        mesh=plsc.VectorSubcoreMesh(core_axis_name="c", subcore_axis_name="s"),
        out_type=jax.ShapeDtypeStruct((MAX_MEMORY, MEMORY_UNIT), jnp.float32),
        scratch_types=[
            pltpu.VMEM((16,), jnp.float32),
        ],
        compiler_params=pltpu.CompilerParams(needs_layout_passes=False),
    )
    mem2 = sc_fn(memory, m_2d, sjw)

    read = pl.pallas_call(
        _scan_kernel,
        grid=(NUM_BLOCKS,),
        in_specs=[
            pl.BlockSpec((1, OUT_DIM), lambda i: (0, 0)),
            pl.BlockSpec((ROWS_PER_BLOCK, MEMORY_UNIT), lambda i: (i, 0)),
            pl.BlockSpec(memory_space=pl.ANY),
        ],
        out_specs=pl.BlockSpec((1, MEMORY_UNIT), lambda i: (0, 0)),
        out_shape=jax.ShapeDtypeStruct((1, MEMORY_UNIT), jnp.float32),
        scratch_shapes=[
            pltpu.VMEM((1, MEMORY_UNIT), jnp.float32),
            pltpu.SMEM((1,), jnp.float32),
            pltpu.SMEM((1,), jnp.int32),
            pltpu.SemaphoreType.DMA,
        ],
        compiler_params=pltpu.CompilerParams(
            dimension_semantics=("arbitrary",),
        ),
        interpret=interpret,
    )(out, memory, memory)

    return y, read[0], mem2

# --- scband reference (transcript-rebuilt; emitter-appended) ---
"""Pipeline reference for scband-ntm-86646670229549 (READ-ONLY COPY).

The authoritative reference and input builder live on the scoring server;
editing this copy changes nothing except your own understanding.
"""

import jax, jax.numpy as jnp
import numpy as np

MEMORY_UNIT = 256
MAX_MEMORY = 100000
X_DIM = 256
OUT_DIM = 512
UPDATE_SIZE = 3 + MEMORY_UNIT
JUMP_THRESHOLD = 0.5
MIN_SIM_TO_JUMP = 0.5
SHIFT_LENGTH = 1


def setup_inputs(seed: int = 0) -> dict:
    key = jax.random.key(seed)
    k1, k2, k3 = jax.random.split(key, 3)
    x = jax.random.normal(k1, (1, X_DIM), dtype=jnp.float32)
    # network = Linear(X_DIM + MEMORY_UNIT -> OUT_DIM)
    fan_in = X_DIM + MEMORY_UNIT
    W = jax.random.normal(k2, (OUT_DIM, fan_in), dtype=jnp.float32) * (1.0 / np.sqrt(fan_in))
    b = jnp.zeros((OUT_DIM,), dtype=jnp.float32)
    # steady-state (non-empty) external memory; torch code initializes zeros then fills over time
    memory = jax.random.normal(k3, (MAX_MEMORY, MEMORY_UNIT), dtype=jnp.float32) * 0.1
    previous_read = jnp.zeros((MEMORY_UNIT,), dtype=jnp.float32)
    return {"x": x, "W": W, "b": b, "memory": memory, "previous_read": previous_read}


def reference(x, W, b, memory, previous_read):
    # forward: concat input with previous read vector, run controller network
    x_joined = jnp.concatenate([x, previous_read[None, :]], axis=1)  # [1, X_DIM+UNIT]
    out = (x_joined @ W.T + b)[0]  # [OUT_DIM]
    y = out[: OUT_DIM - UPDATE_SIZE]
    v = out[OUT_DIM - UPDATE_SIZE:]
    s = v[0]
    j = v[1]
    w = v[2]
    m = v[3 : 3 + MEMORY_UNIT]

    head0 = 0  # head position at start of step
    # _write (overwrite_mode): overwrite row at head if interpolation weight w > 0.5
    mem2 = memory.at[head0].set(jnp.where(w > 0.5, m, memory[head0]))

    # _content_jump (only applied if j > jump_threshold); head index is control state (no grad)
    sims = jax.lax.stop_gradient(1.0 - jnp.sqrt(jnp.sum((mem2 - m) ** 2, axis=1)) / MEMORY_UNIT)
    pos = jnp.argmax(sims)
    jumped = jnp.where(sims[pos] > MIN_SIM_TO_JUMP, pos, 0)
    head = jnp.where(j > JUMP_THRESHOLD, jumped, head0).astype(jnp.int32)

    # _shift: memory is already at max size, so shift is modular arithmetic
    shift_amt = jnp.floor(s * 3.0 * SHIFT_LENGTH - 1e-9).astype(jnp.int32) - int(3 * SHIFT_LENGTH / 2)
    head = jnp.mod(head + shift_amt, MAX_MEMORY)

    # _read: gather memory row at new head position
    read = mem2[head]
    # torch forward returns y; read and mem2 are the updated recurrent state
    return y, read, mem2

if __name__ == "__main__":
    import jax
    _d = setup_inputs()
    print(jax.jit(kernel)(*tuple(_d.values())))

</pallas_src>

<mosaic_0001>
#map = affine_map<(d0, d1) -> (0, 0)>
#map1 = affine_map<(d0, d1) -> (0)>
module attributes {stable_mosaic.version = 14 : i64} {
  func.func @_sc_copy(%arg0: i32, %arg1: i32, %arg2: memref<100000x256xf32, #tpu.memory_space<hbm>>, %arg3: memref<1x256xf32, #tpu.memory_space<hbm>>, %arg4: memref<16xf32, #tpu.memory_space<hbm>>, %arg5: memref<100000x256xf32, #tpu.memory_space<hbm>>, %arg6: memref<16xf32, #tpu.memory_space<vmem>>) attributes {dimension_semantics = [#tpu.dimension_semantics<core_parallel>, #tpu.dimension_semantics<subcore_parallel>], iteration_bounds = array<i64: 2, 16>, scalar_prefetch = 0 : i64, scratch_operands = 1 : i64, tpu.core_type = #tpu.core_type<sc_vector_subcore>, window_params = [{transform_indices = #map}, {transform_indices = #map}, {transform_indices = #map1}, {transform_indices = #map}]} {
    %mul3A = arith.constant 2 : i32
    %mul3A_0 = arith.muli %arg1, %mul3A : i32
    %add3A = arith.addi %mul3A_0, %arg0 : i32
    "tpu.region"() ({
      %run_scoped3A = tpu.sem_alloc : memref<!tpu.dma_semaphore, #tpu.memory_space<semaphore_mem>>
      tpu.enqueue_dma source(%arg4 : memref<16xf32, #tpu.memory_space<hbm>>) target(%arg6 : memref<16xf32, #tpu.memory_space<vmem>>) target_semaphore(%run_scoped3A : memref<!tpu.dma_semaphore, #tpu.memory_space<semaphore_mem>>)
      tpu.wait_dma2 semaphore(%run_scoped3A : memref<!tpu.dma_semaphore, #tpu.memory_space<semaphore_mem>>) src(%arg4 : memref<16xf32, #tpu.memory_space<hbm>>) dst(%arg6 : memref<16xf32, #tpu.memory_space<vmem>>)
      tpu.yield
    }) : () -> ()
    %get3A = arith.constant 0 : index
    %get3A_1 = tpu.vector_load %arg6[%get3A] {strides = array<i32>} : memref<16xf32, #tpu.memory_space<vmem>>, vector<16xf32>,
    %slice3A = vector.extract_strided_slice %get3A_1 {offsets = [15], sizes = [1], strides = [1]} : vector<16xf32> to vector<1xf32>
    %squeeze3A = vector.extract %slice3A[0] : f32 from vector<1xf32>
    %lt3A = arith.constant 29 : i32
    %lt3A_2 = arith.cmpi slt, %add3A, %lt3A : i32
    %jit3A = arith.constant 4 : i32
    %jit3A_3 = arith.constant 3 : i32
    %select_n3A = arith.select %lt3A_2, %jit3A, %jit3A_3 : i32
    %while3A = arith.constant 0 : i32
    %while3A_4 = arith.constant 0 : i32
    %while3A_5 = arith.subi %select_n3A, %while3A_4 : i32
    %while3A_6 = arith.addi %while3A_4, %while3A_5 : i32
    %while3A_7 = arith.constant 1 : i32
    %while3A_8 = arith.divsi %while3A_5, %while3A_7 : i32
    %while3A_9 = arith.muli %while3A_8, %while3A_7 : i32
    %while3A_10 = arith.addi %while3A_4, %while3A_9 : i32
    %while3A_11 = arith.constant 1 : i32
    scf.for %while3A_16 = %while3A_4 to %while3A_10 step %while3A_11  : i32 {
      %mul3A_17 = arith.constant 32 : i32
      %mul3A_18 = arith.muli %mul3A_17, %while3A_16 : i32
      %add3A_19 = arith.addi %add3A, %mul3A_18 : i32
      %mul3A_20 = arith.constant 800 : i32
      %mul3A_21 = arith.muli %add3A_19, %mul3A_20 : i32
      "tpu.region"() ({
        %run_scoped3A = tpu.sem_alloc : memref<!tpu.dma_semaphore, #tpu.memory_space<semaphore_mem>>
        %dma_start3A = arith.constant 0 : i32
        %dma_start3A_22 = tpu.memref_slice %arg5[%mul3A_21, %dma_start3A] : memref<100000x256xf32, #tpu.memory_space<hbm>> -> memref<800x256xf32, #tpu.memory_space<hbm>>
        %dma_start3A_23 = arith.constant 0 : i32
        %dma_start3A_24 = tpu.memref_slice %arg2[%mul3A_21, %dma_start3A_23] : memref<100000x256xf32, #tpu.memory_space<hbm>> -> memref<800x256xf32, #tpu.memory_space<hbm>>
        tpu.enqueue_dma source(%dma_start3A_24 : memref<800x256xf32, #tpu.memory_space<hbm>>) target(%dma_start3A_22 : memref<800x256xf32, #tpu.memory_space<hbm>>) target_semaphore(%run_scoped3A : memref<!tpu.dma_semaphore, #tpu.memory_space<semaphore_mem>>)
        %dma_wait3A = arith.constant 0 : i32
        %dma_wait3A_25 = tpu.memref_slice %arg5[%mul3A_21, %dma_wait3A] : memref<100000x256xf32, #tpu.memory_space<hbm>> -> memref<800x256xf32, #tpu.memory_space<hbm>>
        %dma_wait3A_26 = arith.constant 0 : i32
        %dma_wait3A_27 = tpu.memref_slice %arg2[%mul3A_21, %dma_wait3A_26] : memref<100000x256xf32, #tpu.memory_space<hbm>> -> memref<800x256xf32, #tpu.memory_space<hbm>>
        tpu.wait_dma2 semaphore(%run_scoped3A : memref<!tpu.dma_semaphore, #tpu.memory_space<semaphore_mem>>) src(%dma_wait3A_27 : memref<800x256xf32, #tpu.memory_space<hbm>>) dst(%dma_wait3A_25 : memref<800x256xf32, #tpu.memory_space<hbm>>)
        tpu.yield
      }) : () -> ()
    }
    %while3A_12 = arith.constant 1 : i32
    scf.for %while3A_16 = %while3A_10 to %while3A_6 step %while3A_12  : i32 {
      %mul3A_17 = arith.constant 32 : i32
      %mul3A_18 = arith.muli %mul3A_17, %while3A_16 : i32
      %add3A_19 = arith.addi %add3A, %mul3A_18 : i32
      %mul3A_20 = arith.constant 800 : i32
      %mul3A_21 = arith.muli %add3A_19, %mul3A_20 : i32
      "tpu.region"() ({
        %run_scoped3A = tpu.sem_alloc : memref<!tpu.dma_semaphore, #tpu.memory_space<semaphore_mem>>
        %dma_start3A = arith.constant 0 : i32
        %dma_start3A_22 = tpu.memref_slice %arg5[%mul3A_21, %dma_start3A] : memref<100000x256xf32, #tpu.memory_space<hbm>> -> memref<800x256xf32, #tpu.memory_space<hbm>>
        %dma_start3A_23 = arith.constant 0 : i32
        %dma_start3A_24 = tpu.memref_slice %arg2[%mul3A_21, %dma_start3A_23] : memref<100000x256xf32, #tpu.memory_space<hbm>> -> memref<800x256xf32, #tpu.memory_space<hbm>>
        tpu.enqueue_dma source(%dma_start3A_24 : memref<800x256xf32, #tpu.memory_space<hbm>>) target(%dma_start3A_22 : memref<800x256xf32, #tpu.memory_space<hbm>>) target_semaphore(%run_scoped3A : memref<!tpu.dma_semaphore, #tpu.memory_space<semaphore_mem>>)
        %dma_wait3A = arith.constant 0 : i32
        %dma_wait3A_25 = tpu.memref_slice %arg5[%mul3A_21, %dma_wait3A] : memref<100000x256xf32, #tpu.memory_space<hbm>> -> memref<800x256xf32, #tpu.memory_space<hbm>>
        %dma_wait3A_26 = arith.constant 0 : i32
        %dma_wait3A_27 = tpu.memref_slice %arg2[%mul3A_21, %dma_wait3A_26] : memref<100000x256xf32, #tpu.memory_space<hbm>> -> memref<800x256xf32, #tpu.memory_space<hbm>>
        tpu.wait_dma2 semaphore(%run_scoped3A : memref<!tpu.dma_semaphore, #tpu.memory_space<semaphore_mem>>) src(%dma_wait3A_27 : memref<800x256xf32, #tpu.memory_space<hbm>>) dst(%dma_wait3A_25 : memref<800x256xf32, #tpu.memory_space<hbm>>)
        tpu.yield
      }) : () -> ()
    }
    %eq3A = arith.constant 0 : i32
    %eq3A_13 = arith.cmpi eq, %add3A, %eq3A : i32
    %gt3A = arith.constant 5.000000e-01 : f32
    %gt3A_14 = arith.cmpf ogt, %squeeze3A, %gt3A : f32
    %and3A = arith.andi %eq3A_13, %gt3A_14 : i1
    %convert_element_type3A = arith.extui %and3A : i1 to i32
    %cond3A = arith.constant 0 : i32
    %cond3A_15 = arith.cmpi ne, %convert_element_type3A, %cond3A : i32
    scf.if %cond3A_15 {
      "tpu.region"() ({
        %run_scoped3A = tpu.sem_alloc : memref<!tpu.dma_semaphore, #tpu.memory_space<semaphore_mem>>
        %dma_start3A = arith.constant 0 : i32
        %dma_start3A_16 = arith.constant 0 : i32
        %dma_start3A_17 = tpu.memref_slice %arg5[%dma_start3A, %dma_start3A_16] : memref<100000x256xf32, #tpu.memory_space<hbm>> -> memref<1x256xf32, #tpu.memory_space<hbm>>
        tpu.enqueue_dma source(%arg3 : memref<1x256xf32, #tpu.memory_space<hbm>>) target(%dma_start3A_17 : memref<1x256xf32, #tpu.memory_space<hbm>>) target_semaphore(%run_scoped3A : memref<!tpu.dma_semaphore, #tpu.memory_space<semaphore_mem>>)
        %dma_wait3A = arith.constant 0 : i32
        %dma_wait3A_18 = arith.constant 0 : i32
        %dma_wait3A_19 = tpu.memref_slice %arg5[%dma_wait3A, %dma_wait3A_18] : memref<100000x256xf32, #tpu.memory_space<hbm>> -> memref<1x256xf32, #tpu.memory_space<hbm>>
        tpu.wait_dma2 semaphore(%run_scoped3A : memref<!tpu.dma_semaphore, #tpu.memory_space<semaphore_mem>>) src(%arg3 : memref<1x256xf32, #tpu.memory_space<hbm>>) dst(%dma_wait3A_19 : memref<1x256xf32, #tpu.memory_space<hbm>>)
        tpu.yield
      }) : () -> ()
    } else {
    }
    return
  }
}

module attributes {stable_mosaic.version = 14 : i64} {
  func.func @_controller_kernel(%arg0: memref<1x512xf32, #tpu.memory_space<vmem>>, %arg1: memref<512x512xf32, #tpu.memory_space<vmem>>, %arg2: memref<1x512xf32, #tpu.memory_space<vmem>>, %arg3: memref<1x512xf32, #tpu.memory_space<vmem>>) attributes {dimension_semantics = [], scalar_prefetch = 0 : i64, scratch_operands = 0 : i64, tpu.core_type = #tpu.core_type<tc>} {
    %get3A = arith.constant 0 : index
    %get3A_0 = arith.constant 0 : index
    %get3A_1 = vector.load %arg0[%get3A, %get3A_0] : memref<1x512xf32, #tpu.memory_space<vmem>>, vector<1x512xf32>
    %get3A_2 = arith.constant 0 : index
    %get3A_3 = arith.constant 0 : index
    %get3A_4 = vector.load %arg1[%get3A_2, %get3A_3] : memref<512x512xf32, #tpu.memory_space<vmem>>, vector<512x512xf32>
    %dot_general3A = arith.constant dense<0.000000e+00> : vector<1x512xf32>
    %dot_general3A_5 = tpu.matmul %get3A_1, %get3A_4, %dot_general3A {dimension_numbers = #tpu.dot_dimension_numbers<[1], [1], [0], [0], [0, 0, 1, 0], [], []>, precision = #tpu.contract_precision<fp32>, transpose_lhs_hint = false} : vector<1x512xf32>, vector<512x512xf32>, vector<1x512xf32> -> vector<1x512xf32>
    %get3A_6 = arith.constant 0 : index
    %get3A_7 = arith.constant 0 : index
    %get3A_8 = vector.load %arg2[%get3A_6, %get3A_7] : memref<1x512xf32, #tpu.memory_space<vmem>>, vector<1x512xf32>
    %add3A = arith.addf %dot_general3A_5, %get3A_8 : vector<1x512xf32>
    %swap3A = arith.constant 0 : index
    %swap3A_9 = arith.constant 0 : index
    %swap3A_10 = vector.load %arg3[%swap3A, %swap3A_9] : memref<1x512xf32, #tpu.memory_space<vmem>>, vector<1x512xf32>
    tpu.vector_store %arg3[%swap3A, %swap3A_9], %add3A {strides = array<i32>} : memref<1x512xf32, #tpu.memory_space<vmem>>, vector<1x512xf32>,
    return
  }
}

module attributes {stable_mosaic.version = 14 : i64} {
  func.func @_scan_kernel(%arg0: i32, %arg1: memref<1x512xf32, #tpu.memory_space<vmem>>, %arg2: memref<10000x256xf32, #tpu.memory_space<vmem>>, %arg3: memref<100000x256xf32, #tpu.memory_space<any>>, %arg4: memref<1x256xf32, #tpu.memory_space<vmem>>, %arg5: memref<1x256xf32, #tpu.memory_space<vmem>>, %arg6: memref<1xf32, #tpu.memory_space<smem>>, %arg7: memref<1xi32, #tpu.memory_space<smem>>, %arg8: memref<!tpu.dma_semaphore, #tpu.memory_space<semaphore_mem>>) attributes {dimension_semantics = [#tpu.dimension_semantics<arbitrary>], iteration_bounds = array<i64: 10>, scalar_prefetch = 0 : i64, scratch_operands = 4 : i64, tpu.core_type = #tpu.core_type<tc>, window_params = [{pipeline_mode = #tpu.pipeline_mode<synchronous>, transform_indices = @transform_0, window_bounds = array<i64: 1, 512>}, {transform_indices = @transform_1, window_bounds = array<i64: 10000, 256>}, {}, {pipeline_mode = #tpu.pipeline_mode<synchronous>, transform_indices = @transform_3, window_bounds = array<i64: 1, 256>}]} {
    %eq3A = arith.constant 0 : i32
    %eq3A_0 = arith.cmpi eq, %arg0, %eq3A : i32
    %convert_element_type3A = arith.extui %eq3A_0 : i1 to i32
    %cond3A = arith.constant 0 : i32
    %cond3A_1 = arith.cmpi ne, %convert_element_type3A, %cond3A : i32
    scf.if %cond3A_1 {
      %swap3A_48 = arith.constant 0xFF800000 : f32
      %swap3A_49 = arith.constant 0 : index
      %swap3A_50 = memref.load %arg6[%swap3A_49] : memref<1xf32, #tpu.memory_space<smem>>
      memref.store %swap3A_48, %arg6[%swap3A_49] : memref<1xf32, #tpu.memory_space<smem>>
      %swap3A_51 = arith.constant 0 : i32
      %swap3A_52 = arith.constant 0 : index
      %swap3A_53 = memref.load %arg7[%swap3A_52] : memref<1xi32, #tpu.memory_space<smem>>
      memref.store %swap3A_51, %arg7[%swap3A_52] : memref<1xi32, #tpu.memory_space<smem>>
    } else {
    }
    %get3A = arith.constant 0 : index
    %get3A_2 = arith.constant 255 : index
    %get3A_3 = vector.load %arg1[%get3A, %get3A_2] : memref<1x512xf32, #tpu.memory_space<vmem>>, vector<1x1xf32>
    %get3A_4 = vector.extract %get3A_3[0, 0] : f32 from vector<1x1xf32>
    %get3A_5 = arith.constant 0 : index
    %get3A_6 = arith.constant 256 : index
    %get3A_7 = vector.load %arg1[%get3A_5, %get3A_6] : memref<1x512xf32, #tpu.memory_space<vmem>>, vector<1x256xf32>
    %get3A_8 = arith.constant 0 : index
    %get3A_9 = arith.constant 0 : index
    %get3A_10 = vector.load %arg2[%get3A_8, %get3A_9] : memref<10000x256xf32, #tpu.memory_space<vmem>>, vector<10000x256xf32>
    %sub3A = vector.broadcast %get3A_7 : vector<1x256xf32> to vector<10000x256xf32>
    %sub3A_11 = arith.subf %get3A_10, %sub3A : vector<10000x256xf32>
    %mul3A = arith.mulf %sub3A_11, %sub3A_11 : vector<10000x256xf32>
    %reduce_sum3A = arith.constant dense<0.000000e+00> : vector<10000xf32>
    %reduce_sum3A_12 = vector.multi_reduction <add>, %mul3A, %reduce_sum3A [1] : vector<10000x256xf32> to vector<10000xf32>
    %broadcast_in_dim3A = vector.shape_cast %reduce_sum3A_12 : vector<10000xf32> to vector<10000x1xf32>
    %sqrt3A = math.sqrt %broadcast_in_dim3A : vector<10000x1xf32>
    %mul3A_13 = arith.constant 3.906250e-03 : f32
    %mul3A_14 = vector.broadcast %mul3A_13 : f32 to vector<10000x1xf32>
    %mul3A_15 = arith.mulf %sqrt3A, %mul3A_14 : vector<10000x1xf32>
    %sub3A_16 = arith.constant 1.000000e+00 : f32
    %sub3A_17 = vector.broadcast %sub3A_16 : f32 to vector<10000x1xf32>
    %sub3A_18 = arith.subf %sub3A_17, %mul3A_15 : vector<10000x1xf32>
    %reduce_max3A = vector.shape_cast %sub3A_18 : vector<10000x1xf32> to vector<1x10000x1xf32>
    %reduce_max3A_19 = arith.constant dense<0xFF800000> : vector<1xf32>
    %reduce_max3A_20 = vector.multi_reduction <maximumf>, %reduce_max3A, %reduce_max3A_19 [1, 2] : vector<1x10000x1xf32> to vector<1xf32>
    %reduce_max3A_21 = vector.shape_cast %reduce_max3A_20 : vector<1xf32> to vector<1x1x1xf32>
    %reduce_max3A_22 = vector.extract %reduce_max3A_21[0, 0, 0] : f32 from vector<1x1x1xf32>
    %iota3A = tpu.iota {dimensions = array<i32: 0>} : vector<10000x1xi32>
    %eq3A_23 = vector.broadcast %reduce_max3A_22 : f32 to vector<10000x1xf32>
    %eq3A_24 = arith.cmpf oeq, %sub3A_18, %eq3A_23 : vector<10000x1xf32>
    %jit3A = arith.constant 10000 : i32
    %broadcast_in_dim3A_25 = vector.broadcast %jit3A : i32 to vector<10000x1xi32>
    %select_n3A = arith.select %eq3A_24, %iota3A, %broadcast_in_dim3A_25 : vector<10000x1xi1>, vector<10000x1xi32>
    %reduce_min3A = vector.shape_cast %select_n3A : vector<10000x1xi32> to vector<1x10000x1xi32>
    %reduce_min3A_26 = arith.constant dense<2147483647> : vector<1xi32>
    %reduce_min3A_27 = vector.multi_reduction <minsi>, %reduce_min3A, %reduce_min3A_26 [1, 2] : vector<1x10000x1xi32> to vector<1xi32>
    %reduce_min3A_28 = vector.shape_cast %reduce_min3A_27 : vector<1xi32> to vector<1x1x1xi32>
    %reduce_min3A_29 = vector.extract %reduce_min3A_28[0, 0, 0] : i32 from vector<1x1x1xi32>
    %mul3A_30 = arith.constant 10000 : i32
    %mul3A_31 = arith.muli %arg0, %mul3A_30 : i32
    %add3A = arith.addi %reduce_min3A_29, %mul3A_31 : i32
    %get3A_32 = arith.constant 0 : index
    %get3A_33 = memref.load %arg6[%get3A_32] : memref<1xf32, #tpu.memory_space<smem>>
    %gt3A = arith.cmpf ogt, %reduce_max3A_22, %get3A_33 : f32
    %get3A_34 = arith.constant 0 : index
    %get3A_35 = memref.load %arg6[%get3A_34] : memref<1xf32, #tpu.memory_space<smem>>
    %select_n3A_36 = arith.select %gt3A, %reduce_max3A_22, %get3A_35 : f32
    %swap3A = arith.constant 0 : index
    %swap3A_37 = memref.load %arg6[%swap3A] : memref<1xf32, #tpu.memory_space<smem>>
    memref.store %select_n3A_36, %arg6[%swap3A] : memref<1xf32, #tpu.memory_space<smem>>
    %get3A_38 = arith.constant 0 : index
    %get3A_39 = memref.load %arg7[%get3A_38] : memref<1xi32, #tpu.memory_space<smem>>
    %select_n3A_40 = arith.select %gt3A, %add3A, %get3A_39 : i32
    %swap3A_41 = arith.constant 0 : index
    %swap3A_42 = memref.load %arg7[%swap3A_41] : memref<1xi32, #tpu.memory_space<smem>>
    memref.store %select_n3A_40, %arg7[%swap3A_41] : memref<1xi32, #tpu.memory_space<smem>>
    %eq3A_43 = arith.constant 9 : i32
    %eq3A_44 = arith.cmpi eq, %arg0, %eq3A_43 : i32
    %convert_element_type3A_45 = arith.extui %eq3A_44 : i1 to i32
    %cond3A_46 = arith.constant 0 : i32
    %cond3A_47 = arith.cmpi ne, %convert_element_type3A_45, %cond3A_46 : i32
    scf.if %cond3A_47 {
      %get3A_48 = arith.constant 0 : index
      %get3A_49 = arith.constant 253 : index
      %get3A_50 = vector.load %arg1[%get3A_48, %get3A_49] : memref<1x512xf32, #tpu.memory_space<vmem>>, vector<1x1xf32>
      %get3A_51 = vector.extract %get3A_50[0, 0] : f32 from vector<1x1xf32>
      %get3A_52 = arith.constant 0 : index
      %get3A_53 = arith.constant 254 : index
      %get3A_54 = vector.load %arg1[%get3A_52, %get3A_53] : memref<1x512xf32, #tpu.memory_space<vmem>>, vector<1x1xf32>
      %get3A_55 = vector.extract %get3A_54[0, 0] : f32 from vector<1x1xf32>
      %gt3A_56 = arith.constant 5.000000e-01 : f32
      %gt3A_57 = arith.cmpf ogt, %get3A_4, %gt3A_56 : f32
      %get3A_58 = arith.constant 0 : index
      %get3A_59 = memref.load %arg6[%get3A_58] : memref<1xf32, #tpu.memory_space<smem>>
      %gt3A_60 = arith.constant 5.000000e-01 : f32
      %gt3A_61 = arith.cmpf ogt, %get3A_59, %gt3A_60 : f32
      %get3A_62 = arith.constant 0 : index
      %get3A_63 = memref.load %arg7[%get3A_62] : memref<1xi32, #tpu.memory_space<smem>>
      %jit3A_64 = arith.constant 0 : i32
      %select_n3A_65 = arith.select %gt3A_61, %get3A_63, %jit3A_64 : i32
      %jit3A_66 = arith.constant 0 : i32
      %select_n3A_67 = arith.select %gt3A_57, %jit3A_66, %select_n3A_65 : i32
      %gt3A_68 = arith.constant 5.000000e-01 : f32
      %gt3A_69 = arith.cmpf ogt, %get3A_55, %gt3A_68 : f32
      %jit3A_70 = arith.constant 0 : i32
      %select_n3A_71 = arith.select %gt3A_69, %select_n3A_67, %jit3A_70 : i32
      %mul3A_72 = arith.constant 3.000000e+00 : f32
      %mul3A_73 = arith.mulf %get3A_51, %mul3A_72 : f32
      %sub3A_74 = arith.constant 9.99999971E-10 : f32
      %sub3A_75 = arith.subf %mul3A_73, %sub3A_74 : f32
      %floor3A = math.floor %sub3A_75 : f32
      %convert_element_type3A_76 = arith.fptosi %floor3A : f32 to i32
      %sub3A_77 = arith.constant 1 : i32
      %sub3A_78 = arith.subi %convert_element_type3A_76, %sub3A_77 : i32
      %add3A_79 = arith.addi %select_n3A_71, %sub3A_78 : i32
      %jit3A_80 = arith.constant 100000 : i32
      %eq3A_81 = arith.constant 0 : i32
      %eq3A_82 = arith.cmpi eq, %jit3A_80, %eq3A_81 : i32
      %jit3A_83 = arith.constant 1 : i32
      %select_n3A_84 = arith.select %eq3A_82, %jit3A_83, %jit3A_80 : i32
      %rem3A = arith.remsi %add3A_79, %select_n3A_84 : i32
      %ne3A = arith.constant 0 : i32
      %ne3A_85 = arith.cmpi ne, %rem3A, %ne3A : i32
      %lt3A = arith.constant 0 : i32
      %lt3A_86 = arith.cmpi slt, %rem3A, %lt3A : i32
      %lt3A_87 = arith.constant 0 : i32
      %lt3A_88 = arith.cmpi slt, %select_n3A_84, %lt3A_87 : i32
      %ne3A_89 = arith.xori %lt3A_86, %lt3A_88 : i1
      %and3A = arith.andi %ne3A_89, %ne3A_85 : i1
      %add3A_90 = arith.addi %rem3A, %select_n3A_84 : i32
      %select_n3A_91 = arith.select %and3A, %add3A_90, %rem3A : i32
      %dma_start3A = arith.constant 0 : i32
      %dma_start3A_92 = tpu.memref_slice %arg3[%select_n3A_91, %dma_start3A] : memref<100000x256xf32, #tpu.memory_space<any>> -> memref<1x256xf32, #tpu.memory_space<any>>
      tpu.enqueue_dma source(%dma_start3A_92 : memref<1x256xf32, #tpu.memory_space<any>>) target(%arg5 : memref<1x256xf32, #tpu.memory_space<vmem>>) target_semaphore(%arg8 : memref<!tpu.dma_semaphore, #tpu.memory_space<semaphore_mem>>)
      %dma_wait3A = arith.constant 0 : i32
      %dma_wait3A_93 = tpu.memref_slice %arg3[%select_n3A_91, %dma_wait3A] : memref<100000x256xf32, #tpu.memory_space<any>> -> memref<1x256xf32, #tpu.memory_space<any>>
      tpu.wait_dma2 semaphore(%arg8 : memref<!tpu.dma_semaphore, #tpu.memory_space<semaphore_mem>>) src(%dma_wait3A_93 : memref<1x256xf32, #tpu.memory_space<any>>) dst(%arg5 : memref<1x256xf32, #tpu.memory_space<vmem>>)
      %eq3A_94 = arith.constant 0 : i32
      %eq3A_95 = arith.cmpi eq, %select_n3A_91, %eq3A_94 : i32
      %gt3A_96 = arith.constant 5.000000e-01 : f32
      %gt3A_97 = arith.cmpf ogt, %get3A_4, %gt3A_96 : f32
      %and3A_98 = arith.andi %eq3A_95, %gt3A_97 : i1
      %get3A_99 = arith.constant 0 : index
      %get3A_100 = arith.constant 0 : index
      %get3A_101 = vector.load %arg5[%get3A_99, %get3A_100] : memref<1x256xf32, #tpu.memory_space<vmem>>, vector<1x256xf32>
      %select_n3A_102 = arith.select %and3A_98, %get3A_7, %get3A_101 : vector<1x256xf32>
      %swap3A_103 = arith.constant 0 : index
      %swap3A_104 = arith.constant 0 : index
      %swap3A_105 = vector.load %arg4[%swap3A_103, %swap3A_104] : memref<1x256xf32, #tpu.memory_space<vmem>>, vector<1x256xf32>
      tpu.vector_store %arg4[%swap3A_103, %swap3A_104], %select_n3A_102 {strides = array<i32>} : memref<1x256xf32, #tpu.memory_space<vmem>>, vector<1x256xf32>,
    } else {
    }
    return
  }
  func.func @transform_0(%arg0: i32) -> (i32, i32) {
    %c0_i32 = arith.constant 0 : i32
    %c0_i32_0 = arith.constant 0 : i32
    %c0_i32_1 = arith.constant 0 : i32
    return %c0_i32, %c0_i32_0 : i32, i32
  }
  func.func @transform_1(%arg0: i32) -> (i32, i32) {
    %c0_i32 = arith.constant 0 : i32
    %c0_i32_0 = arith.constant 0 : i32
    return %arg0, %c0_i32 : i32, i32
  }
  func.func @transform_3(%arg0: i32) -> (i32, i32) {
    %c0_i32 = arith.constant 0 : i32
    %c0_i32_0 = arith.constant 0 : i32
    %c0_i32_1 = arith.constant 0 : i32
    return %c0_i32, %c0_i32_0 : i32, i32
  }
}

</mosaic_0001>

<sc_bundles>
// kernel: kernel.5.cloned.1.call-start
scs
__scs_entry_jumppad:
0x0: {  	(pc) =	sbr.rel $0x88, $3  }
0x1: {  	(tag) =	ssettag $0x0;
	lr =	simm.s32 $0x1  }
0x2: {  	[smem:$0x3F9C] =	sst lr;
	_ =	strace $0xD0000000  }
0x3: {  	_ = 	snop  }
0x4: {  	_ = 	snop  }
0x5: {  	_ = 	snop  }
0x6: {  	_ = 	snop  }
0x7: {  	_ = 	snop  }
__scs_overlays_trampoline_lowered:
0x8: {  	[smem:$0x3FAB] =	sst s0  }
0x9: {  	[smem:$0x3FAC] =	sst s1  }
0xa: {  	[smem:$0x3FAD] =	sst s2  }
0xb: {  	[smem:$0x3FAE] =	sst s3  }
0xc: {  	[smem:$0x3FAF] =	sst s4  }
0xd: {  	[smem:$0x3FB0] =	sst s5  }
0xe: {  	[smem:$0x3FB1] =	sst s6  }
0xf: {  	[smem:$0x3FB2] =	sst s7  }
0x10: {  	[smem:$0x3FB3] =	sst s8  }
0x11: {  	[smem:$0x3FB4] =	sst s9;
	s0 =	simm.s32 @!p0 $0x0  }
0x12: {  	s1 =	sld [smem:$0x3F9A];
	s0 =	simm.s32 @p0 $0x1  }
0x13: {  	[smem:$0x3FB5] =	sst s0;
	s0 =	simm.s32 @!p1 $0x0  }
0x14: {  	s2 =	sld [smem:$0x3F99];
	s0 =	simm.s32 @p1 $0x1  }
0x15: {  	[smem:$0x3FB6] =	sst s0;
	s0 =	simm.s32 @!p2 $0x0  }
0x16: {  	s3 =	sld [smem:$0x3FDB];
	s0 =	simm.s32 @p2 $0x1  }
0x17: {  	s4 =	simm.s32 $0x1BF5;
	[smem:$0x3FB8] =	sst s0  }
0x18: {  	s0 =	sld [smem:$0x3F9B];
	_ =	swait.ge [sflag:s4], $0x0  }
0x19: {  	s7 =	sld [smem:$0x3F9C]  }
0x1a: {  	s8 =	sadd.s32 $0xFFFFE003, lr  }
0x1b: {  	s9 =	sadd.s32 $0xFFFFFEF7, lr;
	s5 =	simm.s32 $0xFFFFFFFF;
	p2 =	slt.u32 s8, $0xFFFFF086  }
0x1c: {  	p1 =	slt.u32 s9, $0xF7A;
	s5 =	simm.s32 @!p2 $0x0  }
0x1d: {  	s5 =	simm.s32 @p1 $0x1;
	p0 =	seq.s32 s7, s2  }
0x1e: {  	s7 =	smul.u32 @!p0 $0xF7A, s2;
	p2 =	seq.s32 @!p0 s5, $0x0  }
0x1f: {  	s9 =	smul.u32 $0xF7A, s1;
	s8 =	simm.s32 @!p0 $0x1BF5;
	p2 =	por !p2, p0  }
0x20: {  	[sflag:s8] =	ssyncset.s32 @!p0 $0xFFFFF086;
	s6 =	sadd.s32 @!p0 s3, s7;
	s7 =	simm.s32 @!p0 $0x108  }
0x21: {  	s3 =	sadd.s32 s3, s9;
	s6 =	sadd.s32 @!p0 $0x88, s6;
	s7 =	simm.s32 @p2 $0x1082  }
0x22: {  	[simem:s7], [sflag:s8] =	dma.local @!p0 [hbm:s6], $0xF7A  }
0x23: {  	s9 =	sor.u32 $0xD0000000, s2;
	s6 =	simm.s32 $0x108;
	_ =	swait.ge @!p0 [sflag:s8], $0x0  }
0x24: {  	s3 =	sadd.s32 $0x88, s3;
	s6 =	simm.s32 @!p1 $0x1082;
	[sflag:s4] =	ssyncset.s32 $0xFFFFF086  }
0x25: {  	[simem:s6], [sflag:s4] =	dma.local [hbm:s3], $0xF7A  }
0x26: {  	[smem:$0x3F9C] =	sst s1;
	(tag) =	ssettag s2;
	_ =	strace s9  }
0x27: {  	s1 =	sld [smem:$0x3FAC]  }
0x28: {  	s2 =	sld [smem:$0x3FAD]  }
0x29: {  	s4 =	sld [smem:$0x3FAF]  }
0x2a: {  	p0 =	seq.s32 s5, $0x0;
	s5 =	sld [smem:$0x3FB0]  }
0x2b: {  	s6 =	sld [smem:$0x3FB1]  }
0x2c: {  	s7 =	sld [smem:$0x3FB2]  }
0x2d: {  	s3 =	simm.s32 $0x108;
	s8 =	sld [smem:$0x3FB3]  }
0x2e: {  	s3 =	simm.s32 @!p0 $0x1082;
	s9 =	sld [smem:$0x3FB4]  }
0x2f: {  	lr =	sadd.s32 s0, s3;
	s0 =	sld [smem:$0x3FAB]  }
0x30: {  	s3 =	sld [smem:$0x3FAE]  }
0x31: {  	[smem:$0x3FB7] =	sst s10  }
0x32: {  	s10 =	sld [smem:$0x3FB5];
	_ =	sdelay $0x3  }
0x33: {  	p0 =	seq.s32 s10, $0x1;
	s10 =	sld [smem:$0x3FB7];
	_ =	sdelay $0x3  }
0x34: {  	[smem:$0x3FB7] =	sst s10  }
0x35: {  	s10 =	sld [smem:$0x3FB6];
	_ =	sdelay $0x3  }
0x36: {  	p1 =	seq.s32 s10, $0x1;
	s10 =	sld [smem:$0x3FB7];
	_ =	sdelay $0x3  }
0x37: {  	[smem:$0x3FB7] =	sst s10  }
0x38: {  	s10 =	sld [smem:$0x3FB8]  }
0x39: {  	_ = 	snop;
	(pc) =	sbr.ind lr, $3  }
0x3a: {  	_ = 	snop  }
0x3b: {  	_ = 	snop  }
0x3c: {  	p2 =	seq.s32 s10, $0x1;
	s10 =	sld [smem:$0x3FB7]  }
0x3d: {  	_ =	shalt  }
0x3e: {  	_ =	shalt  }
0x3f: {  	_ =	shalt  }
0x40: {  	_ =	shalt  }
0x41: {  	_ =	shalt  }
0x42: {  	_ =	shalt  }
0x43: {  	_ =	shalt  }
0x44: {  	_ =	shalt  }
0x45: {  	_ =	shalt  }
0x46: {  	_ =	shalt  }
0x47: {  	_ =	shalt  }
0x48: {  	_ =	shalt  }
0x49: {  	_ =	shalt  }
0x4a: {  	_ =	shalt  }
0x4b: {  	_ =	shalt  }
0x4c: {  	_ =	shalt  }
0x4d: {  	_ =	shalt  }
0x4e: {  	_ =	shalt  }
0x4f: {  	_ =	shalt  }
0x50: {  	_ =	shalt  }
0x51: {  	_ =	shalt  }
0x52: {  	_ =	shalt  }
0x53: {  	_ =	shalt  }
0x54: {  	_ =	shalt  }
0x55: {  	_ =	shalt  }
0x56: {  	_ =	shalt  }
0x57: {  	_ =	shalt  }
0x58: {  	_ =	shalt  }
0x59: {  	_ =	shalt  }
0x5a: {  	_ =	shalt  }
0x5b: {  	_ =	shalt  }
0x5c: {  	_ =	shalt  }
0x5d: {  	_ =	shalt  }
0x5e: {  	_ =	shalt  }
0x5f: {  	_ =	shalt  }
0x60: {  	_ =	shalt  }
0x61: {  	_ =	shalt  }
0x62: {  	_ =	shalt  }
0x63: {  	_ =	shalt  }
0x64: {  	_ =	shalt  }
0x65: {  	_ =	shalt  }
0x66: {  	_ =	shalt  }
0x67: {  	_ =	shalt  }
0x68: {  	_ =	shalt  }
0x69: {  	_ =	shalt  }
0x6a: {  	_ =	shalt  }
0x6b: {  	_ =	shalt  }
0x6c: {  	_ =	shalt  }
0x6d: {  	_ =	shalt  }
0x6e: {  	_ =	shalt  }
0x6f: {  	_ =	shalt  }
0x70: {  	_ =	shalt  }
0x71: {  	_ =	shalt  }
0x72: {  	_ =	shalt  }
0x73: {  	_ =	shalt  }
0x74: {  	_ =	shalt  }
0x75: {  	_ =	shalt  }
0x76: {  	_ =	shalt  }
0x77: {  	_ =	shalt  }
0x78: {  	_ =	shalt  }
0x79: {  	_ =	shalt  }
0x7a: {  	_ =	shalt  }
0x7b: {  	_ =	shalt  }
0x7c: {  	_ =	shalt  }
0x7d: {  	_ =	shalt  }
0x7e: {  	_ =	shalt  }
0x7f: {  	_ =	shalt  }
0x80: {  	_ =	shalt  }
0x81: {  	_ =	shalt  }
0x82: {  	_ =	shalt  }
0x83: {  	_ =	shalt  }
0x84: {  	_ =	shalt  }
0x85: {  	_ =	shalt  }
0x86: {  	_ =	shalt  }
0x87: {  	_ =	shalt  }
.Lfunc_end0:
.L_simem_size_0:
called_computation_lowered:
.L_overlay_start_0:
0x88: {  	s2 =	sld [smem:$0x3FD9]  }
0x89: {  	s3 =	sld [smem:$0x3FFE];
	_ =	sdelay $0x1  }
0x8a: {  	s1 =	srdreg.scid  }
0x8b: {  	s0 =	sand.u32 $0x1, s1  }
0x8c: {  	s14 =	sshll.u32 s0, $0xA;
	s2 =	sadd.s32 s3, s2  }
0x8d: {  	s2 =	sadd.s32 s2, s14  }
0x8e: {  	[smem:$0x3FC3] =	sst s2  }
0x8f: {  	_ = 	snop  }
0x90: {  	s2 =	sld [smem:$0x3FD0];
	_ =	sdelay $0x2  }
0x91: {  	s4 =	simm.s32 $0xA;
	s5 =	simm.s32 $0x10;
	s15 =	sld [smem:$0x3FC6]  }
0x92: {  	[smem:s5], [sflag:s4] =	dma.local [hbm:s2], $0x1  }
0x93: {  	_ =	swait.eq [sflag:s4], $0x1  }
0x94: {  	[sflag:s4] =	ssyncset.done $0x0  }
0x95: {  	[sflag:s4] =	ssyncadd.s32 $0xFFFFFFFF  }
0x96: {  	s16 =	sld [smem:$0x12];
	(tm) =	ssettm $0x1  }
0x97: {  	s17 =	sld [smem:$0x3FFB];
	_ =	sdelay $0x3  }
0x98: {  	_ =	strace s17  }
0x99: {  	s4 =	sld [smem:$0x3FFC];
	_ =	sdelay $0x3  }
0x9a: {  	_ =	strace s4  }
0x9b: {  	s4 =	sld [smem:$0x3FFD];
	_ =	sdelay $0x3  }
0x9c: {  	_ =	strace s4  }
0x9d: {  	_ =	strace $0x8FFFFFFF  }
0x9e: {  	s18 =	sld [smem:$0x3FDB];
	_ =	sdelay $0x1  }
0x9f: {  	s19 =	simm.s32 $_scs_section_size  }
0xa0: {  	s6 =	simm.s32 $_size__tile_overlayer_lowered;
	s7 =	simm.s32 $_tile_overlayer_lowered  }
0xa1: {  	s22 =	simm.s32 $0x1BFF;
	s21 =	sshll.u32 s7, $0x1;
	s4 =	sadd.s32 s19, s18  }
0xa2: {  	s8 =	simm.s32 $0x0;
	s20 =	sshll.u32 s6, $0x1;
	s6 =	sadd.s32 s21, s4  }
0xa3: {  	[timem:s8], [sflag:s22] =	dma.local [hbm:s6], s20  }
0xa4: {  	_ =	swait.ge [sflag:s22], s20  }
0xa5: {  	s5 =	ssub.s32 $0x0, s20;
	[sflag:s22] =	ssyncset.done $0x0  }
0xa6: {  	[sflag:s22] =	ssyncadd.s32 s5;
	_ =	sdelay $0x1  }
0xa7: {  	s23 =	simm.s32 $0x1B8B  }
0xa8: {  	_ =	swait.ge [sflag:s23], $0x1  }
0xa9: {  	[sflag:s23] =	ssyncset.done $0x0  }
0xaa: {  	s25 =	simm.s32 $0x1B8E;
	s24 =	sld [smem:$0x3FFE];
	[sflag:s23] =	ssyncadd.s32 $0xFFFFFFFF  }
0xab: {  	s26 =	simm.s32 $execute0_lowered;
	[smem:$0x3FD2] =	sst s25  }
0xac: {  	s6 =	sshll.u32 s26, $0x1;
	_ =	strace $0x80000046;
	[dreg:$0x1] =	wrdreg $0xFFFFFFFF  }
0xad: {  	s28 =	simm.s32 $_size_execute0_lowered;
	s4 =	sadd.s32 s4, s6;
	[dreg:$0x0] =	wrdreg $0x0  }
0xae: {  	s6 =	sshll.u32 s28, $0x1;
	[dreg:$0x2] =	wrdreg s4  }
0xaf: {  	[dreg:$0x3] =	wrdreg s6  }
0xb0: {  	[dreg:$0x4] =	wrdreg $0xC0  }
0xb1: {  	_ =	task [dreg:s8], $0x5FFFF  }
0xb2: {  	[dreg:$0x1] =	wrdreg $0xFFFFFFFF  }
0xb3: {  	[dreg:$0x0] =	wrdreg $0x60  }
0xb4: {  	[dreg:$0x2] =	wrdreg s15  }
0xb5: {  	[dreg:$0x3] =	wrdreg s24  }
0xb6: {  	[dreg:$0x4] =	wrdreg s16  }
0xb7: {  	[dreg:$0x5] =	wrdreg $0x9  }
0xb8: {  	_ =	task.clear_ibuf [dreg:s8], $0x6FFFF;
	_ =	strace $0x90000046  }
0xb9: {  	s29 =	simm.s32 $0x9;
	_ =	strace $0x80000048  }
0xba: {  	_ =	swait.ge [sflag:s29], $0x1  }
0xbb: {  	[sflag:s29] =	ssyncadd.s32 $0xFFFFFFFF  }
0xbc: {  	_ =	strace $0x90000048  }
0xbd: {  	_ =	sfence  }
0xbe: {  	s30 =	sld [smem:$0x0];
	_ =	sdelay $0x2  }
0xbf: {  	s31 =	sshll.u32 s1, $0xD;
	s1 =	sshrl.u32 s1, $0x2  }
0xc0: {  	s3 =	sand.u32 $0x4000, s31;
	s1 =	sadd.s32 s1, s30  }
0xc1: {  	s0 =	sor.u32 s3, s0;
	s1 =	sshll.u32 s1, $0x11  }
0xc2: {  	s0 =	sor.u32 s1, s0  }
0xc3: {  	s0 =	sadd.s32 $0x8F2B, s0  }
0xc4: {  	[sflag:s0] =	ssyncadd.remote.s32 $0x1  }
0xc5: {  	_ =	sfence.sel $0xFFFF  }
0xc6: {  	[dreg:$0x0] =	wrdreg $0xFFFFFFFF;
	(pc) =	sbr.abs _section_cstart, $3  }
0xc7: {  	[dreg:$0x1] =	wrdreg $0xFFFFFFFF  }
0xc8: {  	_ =	task.clear_ibuf [dreg:s8], $0x2FFFF;
	_ =	strace $0x9FFFFFFF  }
0xc9: {  	(tm) =	ssettm $0x7FFFFFFF  }
tec
execute0_lowered:
.L_overlay_start_1:
0x0: {  	(tag) =	ssettag $0x1  }
0x1: {  	s1 =	rddreg [dreg:$0x0]  }
0x2: {  	s7 =	rddreg [dreg:$0x1]  }
0x3: {  	s2 =	rddreg [dreg:$0x2]  }
0x4: {  	s0 =	rddreg [dreg:$0x3];
	s3 =	simm.s32 $0x0;
	s4 =	srdreg.scid  }
0x5: {  	[smem:$0x7FF] =	sst s3;
	s8 =	sand.u32 $0x1, s4  }
0x6: {  	s4 =	stileid.u32;
	s5 =	sadd.s32 $0x1000, s7;
	s7 =	sadd.s32 $0xE00, s7  }
0x7: {  	_ =	strace $0x80000047;
	s6 =	ssub.s32 $0x2, s8;
	s30 =	smul.u32 $0x64000, s4  }
0x8: {  	s10 =	sshll.u32 s4, $0x1;
	s11 =	smul.u32 $0x32000, s8;
	s31 =	sshll.u32 s4, $0x6  }
0x9: {  	s9 =	sshrl.u32 s6, $0x1;
	s12 =	sor.u32 s8, s10;
	s10 =	simm.s32 $0x1  }
0xa: {  	s9 =	ssub.s32 s6, s9;
	p0 =	slt.u32 s12, $0x1D;
	s6 =	simm.s32 $0x4  }
0xb: {  	s6 =	simm.s32 @!p0 $0x3;
	s8 =	smax.u32 s9, $0x1;
	s9 =	sadd.s32 s11, s30  }
0xc: {  	s11 =	sor.u32 $0x1C01, s31;
	p0 =	sne.s32 s12, $0x0;
	s12 =	simm.s32 $0x0  }
.LBB2_1:
0xd: {  	[tilespmem:s3], [sflag:$0x1] =	stream.linear.gather [hbm4b:s7+s3], $0x80, $0x38;
	[tilespmem:$0x80] =	vst v63  }
0xe: {  	p1 =	sne.s32 s6, $0x1  }
.Ltmp0:
0xf: {  	_ =	swait.ge [sflag:s10], $0x80;
	(pc) =	sbr.rel @!p1 .LBB2_3-.Ltmp0, $4  }
0x10: {  	s13 =	sshrl.u32 s9, $0x3;
	[sflag:s10] =	ssyncset.done $0x0  }
0x11: {  	s14 =	sadd.s32 s1, s13;
	s13 =	sadd.s32 s2, s13;
	[sflag:s10] =	ssyncadd.s32 $0xFFFFFF80  }
0x12: {  	v0 =	vld [tilespmem:$0x0];
	[hbm:s13], [sflag:s11] =	dma.local [hbm:s14], $0x6400  }
0x13: {  	s13 =	sadd.s32 $0xFFFFFFFF, s6;
	s14 =	sadd.s32 $0x640000, s9;
	_ =	swait.ge [sflag:s10], $0x6400  }
.LBB2_2:
0x14: {  	s15 =	sshrl.u32 s14, $0x3  }
0x15: {  	[sflag:s10] =	ssyncset.done $0x0;
	p1 =	sne.s32 s13, $0x1;
	s16 =	sadd.s32 s1, s15  }
.Ltmp1:
0x16: {  	s15 =	sadd.s32 s2, s15;
	[sflag:s10] =	ssyncadd.s32 $0xFFFF9C00;
	(pc) =	sbr.rel @p1 .LBB2_2-.Ltmp1, $3  }
0x17: {  	[hbm:s15], [sflag:s11] =	dma.local [hbm:s16], $0x6400  }
0x18: {  	s13 =	sadd.s32 $0xFFFFFFFF, s13;
	_ =	sdelay $0x1  }
0x19: {  	s14 =	sadd.s32 $0x640000, s14;
	_ =	swait.ge [sflag:s10], $0x6400  }
.LBB2_3:
0x1a: {  	_ =	sdelay $0x2  }
0x1b: {  	(v2sf) =	vpush v0, $0xF;
	_ =	sdelay $0xe  }
0x1c: {  	s13 =	spop (v2sf)  }
0x1d: {  	p1 =	sgt.f32 @!p0 s13, $5.000000000e-01;
	_ =	sdelay $0x1  }
0x1e: {  	[sflag:s10] =	ssyncset.done $0x0;
	s12 =	sadd.s32 $0x1, s12;
	p1 =	por !p1, p0  }
0x1f: {  	[sflag:s10] =	ssyncadd.s32 $0xFFFF9C00;
	p2 =	sne.s32 s12, s8;
	s13 =	simm.s32 @!p1 $0x1  }
.Ltmp2:
0x20: {  	s14 =	simm.s32 @!p1 $0x80;
	s15 =	simm.s32 @!p1 $0x10;
	(pc) =	sbr.rel @p2 .LBB2_1-.Ltmp2, $4  }
0x21: {  	[hbm:s2@s14], [sflag:s11] =	dma.strided @!p1 [hbm:s5@s15], $0x20, s13, $0x10   }
0x22: {  	_ =	swait.ge @!p1 [sflag:s13], $0x20  }
0x23: {  	[sflag:s13] =	ssyncset.done @!p1 $0x0  }
0x24: {  	[sflag:s13] =	ssyncadd.s32 @!p1 $0xFFFFFFE0  }
0x25: {  	_ =	sfence.sel $0x180000  }
0x26: {  	[bflag:$0x0] =	sbarrier.arrive $0xFFFF  }
0x27: {  	p0 =	sne.s32 s4, $0x0;
	_ =	strace $0x90000047  }
0x28: {  	s0 =	sadd.s32 @!p0 $0x100000, s0;
	[bflag:$0x2] =	sbarrier.arrive $0xFFFF  }
0x29: {  	[sflag:s0] =	ssyncadd.tile.s32 @!p0 $0x1;
	_ =	shalt  }
.Lfunc_end2:
_tile_overlayer_lowered:
.L_overlay_start_2:
0x2a: {  	(tag) =	ssettag $0x2  }
0x2b: {  	s0 =	rddreg [dreg:$0x0];
	s2 =	stileid.u32  }
0x2c: {  	s1 =	rddreg [dreg:$0x1];
	p0 =	sne.s32 s2, $0x0  }
0x2d: {  	s3 =	rddreg [dreg:$0x2];
	[bflag:$0x3] =	sbarrier.arrive $0xFFFF;
	s2 =	simm.s32 @!p0 $0x1C01  }
0x2e: {  	[timem:s3], [sflag:s2] =	dma.local @!p0 [hbm:s0], s1  }
0x2f: {  	s0 =	simm.s32 @!p0 $0x1  }
0x30: {  	_ =	swait.ge @!p0 [sflag:s0], s1  }
0x31: {  	s1 =	ssub.s32 @!p0 $0x0, s1;
	[sflag:s0] =	ssyncset.done @!p0 $0x0  }
0x32: {  	[sflag:s0] =	ssyncadd.s32 @!p0 s1  }
0x33: {  	[bflag:$0x3] =	sbarrier.arrive $0xFFFF  }
0x34: {  	_ =	shalt  }

</sc_bundles>
